<compile_context>
chip_gen: v7x
topology: tpu7x:2x2x1
jax: 0.10.2.dev20260603
libtpu: 0.0.44.dev20260713+nightly
codegen_flags: <defaults>
</compile_context>

<pallas_src>
import functools

import jax
import jax.numpy as jnp
from jax import lax
from jax.experimental import pallas as pl
from jax.experimental.pallas import tpu as pltpu
from jax.experimental.pallas import tpu_sc as plsc

_NUM_CLASS = 150
_NBINS = _NUM_CLASS * _NUM_CLASS
_HIST_PAD = 22528
_NC = 2
_NS = 16
_NW = _NC * _NS
_B, _H, _W = 16, 512, 512
_ROWS_W = _B * _H // _NW
_CROWS = 16
_NCHUNK = _ROWS_W // _CROWS
_CPIX = _CROWS * _W
_L = 16
_GROUPS = _CPIX // _L
_GPR = _W // _L


def _make_kernel():
    mesh = plsc.VectorSubcoreMesh(
        core_axis_name="c", subcore_axis_name="s",
        num_cores=_NC, num_subcores=_NS,
    )

    @functools.partial(
        pl.kernel,
        out_type=jax.ShapeDtypeStruct((_NW, _HIST_PAD), jnp.float32),
        mesh=mesh,
        scratch_types=[
            pltpu.VMEM((_CROWS, _W), jnp.int32),
            pltpu.VMEM((_CROWS, _W), jnp.int32),
            pltpu.VMEM((_CROWS, _W), jnp.int32),
            pltpu.VMEM((_CROWS, _W), jnp.int32),
            pltpu.VMEM((_HIST_PAD,), jnp.float32),
            pltpu.SemaphoreType.DMA,
            pltpu.SemaphoreType.DMA,
        ],
        compiler_params=pltpu.CompilerParams(needs_layout_passes=False),
    )
    def cm_kernel(pred_hbm, label_hbm, out_hbm,
                  pred_v0, pred_v1, label_v0, label_v1, hist_v,
                  sem0, sem1):
        wid = lax.axis_index("s") * _NC + lax.axis_index("c")
        n = wid // 2
        row0 = (wid % 2) * _ROWS_W
        pred_bufs = (pred_v0, pred_v1)
        label_bufs = (label_v0, label_v1)
        sems = (sem0, sem1)

        zeros = jnp.zeros((_L,), jnp.float32)
        ones = jnp.ones((_L,), jnp.float32)

        for b in range(2):
            r = row0 + b * _CROWS
            pltpu.async_copy(pred_hbm.at[n, pl.ds(r, _CROWS), :],
                             pred_bufs[b], sems[b])
            pltpu.async_copy(label_hbm.at[n, pl.ds(r, _CROWS), :],
                             label_bufs[b], sems[b])

        @plsc.parallel_loop(0, _HIST_PAD // _L, unroll=4)
        def _zero(i):
            hist_v[pl.ds(i * _L, _L)] = zeros

        def outer(g, carry):
            for b in range(2):
                ci = 2 * g + b
                r = row0 + ci * _CROWS
                pltpu.make_async_copy(pred_hbm.at[n, pl.ds(r, _CROWS), :],
                                      pred_bufs[b], sems[b]).wait()
                pltpu.make_async_copy(label_hbm.at[n, pl.ds(r, _CROWS), :],
                                      label_bufs[b], sems[b]).wait()

                pv, lv = pred_bufs[b], label_bufs[b]

                @plsc.parallel_loop(0, _GROUPS, unroll=8)
                def _pix(i):
                    row = i // _GPR
                    col = (i % _GPR) * _L
                    p = pv[row, pl.ds(col, _L)]
                    lbl = lv[row, pl.ds(col, _L)]
                    mask = (lbl >= 0) & (lbl < _NUM_CLASS)
                    bins = lbl * _NUM_CLASS + p
                    plsc.addupdate_scatter(hist_v, [bins], ones, mask=mask)

                @pl.when(ci + 2 < _NCHUNK)
                def _prefetch():
                    r2 = row0 + (ci + 2) * _CROWS
                    pltpu.async_copy(pred_hbm.at[n, pl.ds(r2, _CROWS), :],
                                     pred_bufs[b], sems[b])
                    pltpu.async_copy(label_hbm.at[n, pl.ds(r2, _CROWS), :],
                                     label_bufs[b], sems[b])
            return carry

        lax.fori_loop(0, _NCHUNK // 2, outer, 0)

        pltpu.sync_copy(hist_v, out_hbm.at[wid])

    return cm_kernel


_cm_kernel = _make_kernel()


@jax.jit
def kernel(imgPredict, imgLabel, confusionMatrix):
    parts = _cm_kernel(imgPredict, imgLabel)
    cm = parts.sum(axis=0)[:_NBINS].reshape(_NUM_CLASS, _NUM_CLASS)
    return confusionMatrix + cm

# --- scband reference (transcript-rebuilt; emitter-appended) ---
"""Pipeline reference for scband-segmentation-metric-19370302505506 (READ-ONLY COPY).

The authoritative reference and input builder live on the scoring server;
editing this copy changes nothing except your own understanding.
"""

import jax, jax.numpy as jnp
import numpy as np

NUM_CLASS = 150


def setup_inputs(seed: int = 0) -> dict:
    key = jax.random.key(seed)
    k1, k2 = jax.random.split(key)
    imgPredict = jax.random.randint(k1, (16, 512, 512), 0, NUM_CLASS, dtype=jnp.int32)
    imgLabel = jax.random.randint(k2, (16, 512, 512), 0, NUM_CLASS, dtype=jnp.int32)
    confusionMatrix = jnp.zeros((NUM_CLASS, NUM_CLASS), dtype=jnp.float32)
    return {"imgPredict": imgPredict, "imgLabel": imgLabel, "confusionMatrix": confusionMatrix}


def reference(imgPredict, imgLabel, confusionMatrix):
    num_class = NUM_CLASS
    # genConfusionMatrix: fast_hist
    mask = (imgLabel >= 0) & (imgLabel < num_class)
    label = num_class * imgLabel + imgPredict
    label = jnp.where(mask, label, 0)
    weights = mask.astype(jnp.float32)
    count = jnp.bincount(label.reshape(-1), weights=weights.reshape(-1), length=num_class * num_class)
    cm = count.reshape(num_class, num_class)
    # addBatch: confusionMatrix += cm, returns confusionMatrix
    return confusionMatrix + cm

if __name__ == "__main__":
    import jax
    _d = setup_inputs()
    print(jax.jit(kernel)(*tuple(_d.values())))

</pallas_src>

<mosaic_0001>
#map = affine_map<(d0, d1) -> (0, 0, 0)>
#map1 = affine_map<(d0, d1) -> (0, 0)>
module attributes {stable_mosaic.version = 14 : i64} {
  func.func @cm_kernel(%arg0: i32, %arg1: i32, %arg2: memref<16x512x512xi32, #tpu.memory_space<hbm>>, %arg3: memref<16x512x512xi32, #tpu.memory_space<hbm>>, %arg4: memref<32x22528xf32, #tpu.memory_space<hbm>>, %arg5: memref<16x512xi32, #tpu.memory_space<vmem>>, %arg6: memref<16x512xi32, #tpu.memory_space<vmem>>, %arg7: memref<16x512xi32, #tpu.memory_space<vmem>>, %arg8: memref<16x512xi32, #tpu.memory_space<vmem>>, %arg9: memref<22528xf32, #tpu.memory_space<vmem>>, %arg10: memref<!tpu.dma_semaphore, #tpu.memory_space<semaphore_mem>>, %arg11: memref<!tpu.dma_semaphore, #tpu.memory_space<semaphore_mem>>) attributes {dimension_semantics = [#tpu.dimension_semantics<core_parallel>, #tpu.dimension_semantics<subcore_parallel>], iteration_bounds = array<i64: 2, 16>, scalar_prefetch = 0 : i64, scratch_operands = 7 : i64, tpu.core_type = #tpu.core_type<sc_vector_subcore>, window_params = [{transform_indices = #map}, {transform_indices = #map}, {transform_indices = #map1}]} {
    %mul3A = arith.constant 2 : i32
    %mul3A_0 = arith.muli %arg1, %mul3A : i32
    %add3A = arith.addi %mul3A_0, %arg0 : i32
    %jit3A = arith.constant 2 : i32
    %div3A = arith.divsi %add3A, %jit3A : i32
    %sign3A = arith.constant 0 : i32
    %sign3A_1 = arith.cmpi sgt, %add3A, %sign3A : i32
    %sign3A_2 = arith.extui %sign3A_1 : i1 to i32
    %sign3A_3 = arith.constant 0 : i32
    %sign3A_4 = arith.cmpi slt, %add3A, %sign3A_3 : i32
    %sign3A_5 = arith.extui %sign3A_4 : i1 to i32
    %sign3A_6 = arith.subi %sign3A_2, %sign3A_5 : i32
    %sign3A_7 = arith.constant 0 : i32
    %sign3A_8 = arith.cmpi sgt, %jit3A, %sign3A_7 : i32
    %sign3A_9 = arith.extui %sign3A_8 : i1 to i32
    %sign3A_10 = arith.constant 0 : i32
    %sign3A_11 = arith.cmpi slt, %jit3A, %sign3A_10 : i32
    %sign3A_12 = arith.extui %sign3A_11 : i1 to i32
    %sign3A_13 = arith.subi %sign3A_9, %sign3A_12 : i32
    %ne3A = arith.cmpi ne, %sign3A_6, %sign3A_13 : i32
    %rem3A = arith.remsi %add3A, %jit3A : i32
    %ne3A_14 = arith.constant 0 : i32
    %ne3A_15 = arith.cmpi ne, %rem3A, %ne3A_14 : i32
    %and3A = arith.andi %ne3A, %ne3A_15 : i1
    %sub3A = arith.constant 1 : i32
    %sub3A_16 = arith.subi %div3A, %sub3A : i32
    %select_n3A = arith.select %and3A, %sub3A_16, %div3A : i32
    %jit3A_17 = arith.constant 2 : i32
    %eq3A = arith.constant 0 : i32
    %eq3A_18 = arith.cmpi eq, %jit3A_17, %eq3A : i32
    %jit3A_19 = arith.constant 1 : i32
    %select_n3A_20 = arith.select %eq3A_18, %jit3A_19, %jit3A_17 : i32
    %rem3A_21 = arith.remsi %add3A, %select_n3A_20 : i32
    %ne3A_22 = arith.constant 0 : i32
    %ne3A_23 = arith.cmpi ne, %rem3A_21, %ne3A_22 : i32
    %lt3A = arith.constant 0 : i32
    %lt3A_24 = arith.cmpi slt, %rem3A_21, %lt3A : i32
    %lt3A_25 = arith.constant 0 : i32
    %lt3A_26 = arith.cmpi slt, %select_n3A_20, %lt3A_25 : i32
    %ne3A_27 = arith.xori %lt3A_24, %lt3A_26 : i1
    %and3A_28 = arith.andi %ne3A_27, %ne3A_23 : i1
    %add3A_29 = arith.addi %rem3A_21, %select_n3A_20 : i32
    %select_n3A_30 = arith.select %and3A_28, %add3A_29, %rem3A_21 : i32
    %mul3A_31 = arith.constant 256 : i32
    %mul3A_32 = arith.muli %select_n3A_30, %mul3A_31 : i32
    %broadcast_in_dim3A = arith.constant 0.000000e+00 : f32
    %broadcast_in_dim3A_33 = vector.broadcast %broadcast_in_dim3A : f32 to vector<16xf32>
    %broadcast_in_dim3A_34 = arith.constant 1.000000e+00 : f32
    %broadcast_in_dim3A_35 = vector.broadcast %broadcast_in_dim3A_34 : f32 to vector<16xf32>
    %add3A_36 = arith.constant 0 : i32
    %add3A_37 = arith.addi %mul3A_32, %add3A_36 : i32
    %dma_start3A = arith.constant 0 : i32
    %dma_start3A_38 = tpu.memref_slice %arg2[%select_n3A, %add3A_37, %dma_start3A] : memref<16x512x512xi32, #tpu.memory_space<hbm>> -> memref<1x16x512xi32, #tpu.memory_space<hbm>>
    %dma_start3A_39 = tpu.memref_squeeze %dma_start3A_38 : memref<1x16x512xi32, #tpu.memory_space<hbm>> -> memref<16x512xi32, #tpu.memory_space<hbm>>
    %dma_start3A_40 = arith.constant 0 : i32
    %dma_start3A_41 = tpu.memref_slice %arg2[%select_n3A, %add3A_37, %dma_start3A_40] : memref<16x512x512xi32, #tpu.memory_space<hbm>> -> memref<1x16x512xi32, #tpu.memory_space<hbm>>
    %dma_start3A_42 = tpu.memref_squeeze %dma_start3A_41 : memref<1x16x512xi32, #tpu.memory_space<hbm>> -> memref<16x512xi32, #tpu.memory_space<hbm>>
    tpu.enqueue_dma source(%dma_start3A_42 : memref<16x512xi32, #tpu.memory_space<hbm>>) target(%arg5 : memref<16x512xi32, #tpu.memory_space<vmem>>) target_semaphore(%arg10 : memref<!tpu.dma_semaphore, #tpu.memory_space<semaphore_mem>>)
    %dma_start3A_43 = arith.constant 0 : i32
    %dma_start3A_44 = tpu.memref_slice %arg3[%select_n3A, %add3A_37, %dma_start3A_43] : memref<16x512x512xi32, #tpu.memory_space<hbm>> -> memref<1x16x512xi32, #tpu.memory_space<hbm>>
    %dma_start3A_45 = tpu.memref_squeeze %dma_start3A_44 : memref<1x16x512xi32, #tpu.memory_space<hbm>> -> memref<16x512xi32, #tpu.memory_space<hbm>>
    %dma_start3A_46 = arith.constant 0 : i32
    %dma_start3A_47 = tpu.memref_slice %arg3[%select_n3A, %add3A_37, %dma_start3A_46] : memref<16x512x512xi32, #tpu.memory_space<hbm>> -> memref<1x16x512xi32, #tpu.memory_space<hbm>>
    %dma_start3A_48 = tpu.memref_squeeze %dma_start3A_47 : memref<1x16x512xi32, #tpu.memory_space<hbm>> -> memref<16x512xi32, #tpu.memory_space<hbm>>
    tpu.enqueue_dma source(%dma_start3A_48 : memref<16x512xi32, #tpu.memory_space<hbm>>) target(%arg7 : memref<16x512xi32, #tpu.memory_space<vmem>>) target_semaphore(%arg10 : memref<!tpu.dma_semaphore, #tpu.memory_space<semaphore_mem>>)
    %add3A_49 = arith.constant 16 : i32
    %add3A_50 = arith.addi %mul3A_32, %add3A_49 : i32
    %dma_start3A_51 = arith.constant 0 : i32
    %dma_start3A_52 = tpu.memref_slice %arg2[%select_n3A, %add3A_50, %dma_start3A_51] : memref<16x512x512xi32, #tpu.memory_space<hbm>> -> memref<1x16x512xi32, #tpu.memory_space<hbm>>
    %dma_start3A_53 = tpu.memref_squeeze %dma_start3A_52 : memref<1x16x512xi32, #tpu.memory_space<hbm>> -> memref<16x512xi32, #tpu.memory_space<hbm>>
    %dma_start3A_54 = arith.constant 0 : i32
    %dma_start3A_55 = tpu.memref_slice %arg2[%select_n3A, %add3A_50, %dma_start3A_54] : memref<16x512x512xi32, #tpu.memory_space<hbm>> -> memref<1x16x512xi32, #tpu.memory_space<hbm>>
    %dma_start3A_56 = tpu.memref_squeeze %dma_start3A_55 : memref<1x16x512xi32, #tpu.memory_space<hbm>> -> memref<16x512xi32, #tpu.memory_space<hbm>>
    tpu.enqueue_dma source(%dma_start3A_56 : memref<16x512xi32, #tpu.memory_space<hbm>>) target(%arg6 : memref<16x512xi32, #tpu.memory_space<vmem>>) target_semaphore(%arg11 : memref<!tpu.dma_semaphore, #tpu.memory_space<semaphore_mem>>)
    %dma_start3A_57 = arith.constant 0 : i32
    %dma_start3A_58 = tpu.memref_slice %arg3[%select_n3A, %add3A_50, %dma_start3A_57] : memref<16x512x512xi32, #tpu.memory_space<hbm>> -> memref<1x16x512xi32, #tpu.memory_space<hbm>>
    %dma_start3A_59 = tpu.memref_squeeze %dma_start3A_58 : memref<1x16x512xi32, #tpu.memory_space<hbm>> -> memref<16x512xi32, #tpu.memory_space<hbm>>
    %dma_start3A_60 = arith.constant 0 : i32
    %dma_start3A_61 = tpu.memref_slice %arg3[%select_n3A, %add3A_50, %dma_start3A_60] : memref<16x512x512xi32, #tpu.memory_space<hbm>> -> memref<1x16x512xi32, #tpu.memory_space<hbm>>
    %dma_start3A_62 = tpu.memref_squeeze %dma_start3A_61 : memref<1x16x512xi32, #tpu.memory_space<hbm>> -> memref<16x512xi32, #tpu.memory_space<hbm>>
    tpu.enqueue_dma source(%dma_start3A_62 : memref<16x512xi32, #tpu.memory_space<hbm>>) target(%arg8 : memref<16x512xi32, #tpu.memory_space<vmem>>) target_semaphore(%arg11 : memref<!tpu.dma_semaphore, #tpu.memory_space<semaphore_mem>>)
    %parallel_loop3A = arith.constant 0 : i32
    %parallel_loop3A_63 = arith.constant 1408 : i32
    %parallel_loop3A_64 = arith.constant 1 : i32
    scf.for %parallel_loop3A_70 = %parallel_loop3A to %parallel_loop3A_63 step %parallel_loop3A_64  : i32 {
      %parallel_loop3A_71 = arith.constant 16 : i32
      %parallel_loop3A_72 = arith.muli %parallel_loop3A_70, %parallel_loop3A_71 : i32
      %parallel_loop3A_73 = arith.index_cast %parallel_loop3A_72 : i32 to index
      %parallel_loop3A_74 = tpu.vector_load %arg9[%parallel_loop3A_73] {strides = array<i32>} : memref<22528xf32, #tpu.memory_space<vmem>>, vector<16xf32>,
      tpu.vector_store %arg9[%parallel_loop3A_73], %broadcast_in_dim3A_33 {strides = array<i32>} : memref<22528xf32, #tpu.memory_space<vmem>>, vector<16xf32>,
    } {sc.loop_unroll_factor = 4 : i64, sc.parallel_access}
    %scan3A = arith.constant 0 : i32
    %scan3A_65 = arith.constant 0 : i32
    %scan3A_66 = arith.constant 8 : i32
    %scan3A_67 = arith.addi %scan3A_65, %scan3A_66 : i32
    %scan3A_68 = arith.constant 1 : i32
    scf.for %scan3A_70 = %scan3A_65 to %scan3A_67 step %scan3A_68  : i32 {
      %mul3A_71 = arith.constant 2 : i32
      %mul3A_72 = arith.muli %mul3A_71, %scan3A_70 : i32
      %add3A_73 = arith.constant 0 : i32
      %add3A_74 = arith.addi %mul3A_72, %add3A_73 : i32
      %mul3A_75 = arith.constant 16 : i32
      %mul3A_76 = arith.muli %add3A_74, %mul3A_75 : i32
      %add3A_77 = arith.addi %mul3A_32, %mul3A_76 : i32
      %dma_wait3A = arith.constant 0 : i32
      %dma_wait3A_78 = tpu.memref_slice %arg2[%select_n3A, %add3A_77, %dma_wait3A] : memref<16x512x512xi32, #tpu.memory_space<hbm>> -> memref<1x16x512xi32, #tpu.memory_space<hbm>>
      %dma_wait3A_79 = tpu.memref_squeeze %dma_wait3A_78 : memref<1x16x512xi32, #tpu.memory_space<hbm>> -> memref<16x512xi32, #tpu.memory_space<hbm>>
      %dma_wait3A_80 = arith.constant 0 : i32
      %dma_wait3A_81 = tpu.memref_slice %arg2[%select_n3A, %add3A_77, %dma_wait3A_80] : memref<16x512x512xi32, #tpu.memory_space<hbm>> -> memref<1x16x512xi32, #tpu.memory_space<hbm>>
      %dma_wait3A_82 = tpu.memref_squeeze %dma_wait3A_81 : memref<1x16x512xi32, #tpu.memory_space<hbm>> -> memref<16x512xi32, #tpu.memory_space<hbm>>
      tpu.wait_dma2 semaphore(%arg10 : memref<!tpu.dma_semaphore, #tpu.memory_space<semaphore_mem>>) src(%dma_wait3A_82 : memref<16x512xi32, #tpu.memory_space<hbm>>) dst(%arg5 : memref<16x512xi32, #tpu.memory_space<vmem>>)
      %dma_wait3A_83 = arith.constant 0 : i32
      %dma_wait3A_84 = tpu.memref_slice %arg3[%select_n3A, %add3A_77, %dma_wait3A_83] : memref<16x512x512xi32, #tpu.memory_space<hbm>> -> memref<1x16x512xi32, #tpu.memory_space<hbm>>
      %dma_wait3A_85 = tpu.memref_squeeze %dma_wait3A_84 : memref<1x16x512xi32, #tpu.memory_space<hbm>> -> memref<16x512xi32, #tpu.memory_space<hbm>>
      %dma_wait3A_86 = arith.constant 0 : i32
      %dma_wait3A_87 = tpu.memref_slice %arg3[%select_n3A, %add3A_77, %dma_wait3A_86] : memref<16x512x512xi32, #tpu.memory_space<hbm>> -> memref<1x16x512xi32, #tpu.memory_space<hbm>>
      %dma_wait3A_88 = tpu.memref_squeeze %dma_wait3A_87 : memref<1x16x512xi32, #tpu.memory_space<hbm>> -> memref<16x512xi32, #tpu.memory_space<hbm>>
      tpu.wait_dma2 semaphore(%arg10 : memref<!tpu.dma_semaphore, #tpu.memory_space<semaphore_mem>>) src(%dma_wait3A_88 : memref<16x512xi32, #tpu.memory_space<hbm>>) dst(%arg7 : memref<16x512xi32, #tpu.memory_space<vmem>>)
      %parallel_loop3A_89 = arith.constant 0 : i32
      %parallel_loop3A_90 = arith.constant 512 : i32
      %parallel_loop3A_91 = arith.constant 1 : i32
      scf.for %parallel_loop3A_126 = %parallel_loop3A_89 to %parallel_loop3A_90 step %parallel_loop3A_91  : i32 {
        %parallel_loop3A_127 = arith.constant 32 : i32
        %parallel_loop3A_128 = arith.divsi %parallel_loop3A_126, %parallel_loop3A_127 : i32
        %parallel_loop3A_129 = arith.constant 0 : i32
        %parallel_loop3A_130 = arith.cmpi sgt, %parallel_loop3A_126, %parallel_loop3A_129 : i32
        %parallel_loop3A_131 = arith.extui %parallel_loop3A_130 : i1 to i32
        %parallel_loop3A_132 = arith.constant 0 : i32
        %parallel_loop3A_133 = arith.cmpi slt, %parallel_loop3A_126, %parallel_loop3A_132 : i32
        %parallel_loop3A_134 = arith.extui %parallel_loop3A_133 : i1 to i32
        %parallel_loop3A_135 = arith.subi %parallel_loop3A_131, %parallel_loop3A_134 : i32
        %parallel_loop3A_136 = arith.constant 0 : i32
        %parallel_loop3A_137 = arith.cmpi sgt, %parallel_loop3A_127, %parallel_loop3A_136 : i32
        %parallel_loop3A_138 = arith.extui %parallel_loop3A_137 : i1 to i32
        %parallel_loop3A_139 = arith.constant 0 : i32
        %parallel_loop3A_140 = arith.cmpi slt, %parallel_loop3A_127, %parallel_loop3A_139 : i32
        %parallel_loop3A_141 = arith.extui %parallel_loop3A_140 : i1 to i32
        %parallel_loop3A_142 = arith.subi %parallel_loop3A_138, %parallel_loop3A_141 : i32
        %parallel_loop3A_143 = arith.cmpi ne, %parallel_loop3A_135, %parallel_loop3A_142 : i32
        %parallel_loop3A_144 = arith.remsi %parallel_loop3A_126, %parallel_loop3A_127 : i32
        %parallel_loop3A_145 = arith.constant 0 : i32
        %parallel_loop3A_146 = arith.cmpi ne, %parallel_loop3A_144, %parallel_loop3A_145 : i32
        %parallel_loop3A_147 = arith.andi %parallel_loop3A_143, %parallel_loop3A_146 : i1
        %parallel_loop3A_148 = arith.constant 1 : i32
        %parallel_loop3A_149 = arith.subi %parallel_loop3A_128, %parallel_loop3A_148 : i32
        %parallel_loop3A_150 = arith.select %parallel_loop3A_147, %parallel_loop3A_149, %parallel_loop3A_128 : i32
        %parallel_loop3A_151 = arith.constant 32 : i32
        %parallel_loop3A_152 = arith.constant 0 : i32
        %parallel_loop3A_153 = arith.cmpi eq, %parallel_loop3A_151, %parallel_loop3A_152 : i32
        %parallel_loop3A_154 = arith.constant 1 : i32
        %parallel_loop3A_155 = arith.select %parallel_loop3A_153, %parallel_loop3A_154, %parallel_loop3A_151 : i32
        %parallel_loop3A_156 = arith.remsi %parallel_loop3A_126, %parallel_loop3A_155 : i32
        %parallel_loop3A_157 = arith.constant 0 : i32
        %parallel_loop3A_158 = arith.cmpi ne, %parallel_loop3A_156, %parallel_loop3A_157 : i32
        %parallel_loop3A_159 = arith.constant 0 : i32
        %parallel_loop3A_160 = arith.cmpi slt, %parallel_loop3A_156, %parallel_loop3A_159 : i32
        %parallel_loop3A_161 = arith.constant 0 : i32
        %parallel_loop3A_162 = arith.cmpi slt, %parallel_loop3A_155, %parallel_loop3A_161 : i32
        %parallel_loop3A_163 = arith.xori %parallel_loop3A_160, %parallel_loop3A_162 : i1
        %parallel_loop3A_164 = arith.andi %parallel_loop3A_163, %parallel_loop3A_158 : i1
        %parallel_loop3A_165 = arith.addi %parallel_loop3A_156, %parallel_loop3A_155 : i32
        %parallel_loop3A_166 = arith.select %parallel_loop3A_164, %parallel_loop3A_165, %parallel_loop3A_156 : i32
        %parallel_loop3A_167 = arith.constant 16 : i32
        %parallel_loop3A_168 = arith.muli %parallel_loop3A_166, %parallel_loop3A_167 : i32
        %parallel_loop3A_169 = arith.index_cast %parallel_loop3A_150 : i32 to index
        %parallel_loop3A_170 = arith.index_cast %parallel_loop3A_168 : i32 to index
        %parallel_loop3A_171 = tpu.vector_load %arg5[%parallel_loop3A_169, %parallel_loop3A_170] {strides = array<i32>} : memref<16x512xi32, #tpu.memory_space<vmem>>, vector<16xi32>,
        %parallel_loop3A_172 = arith.index_cast %parallel_loop3A_150 : i32 to index
        %parallel_loop3A_173 = arith.index_cast %parallel_loop3A_168 : i32 to index
        %parallel_loop3A_174 = tpu.vector_load %arg7[%parallel_loop3A_172, %parallel_loop3A_173] {strides = array<i32>} : memref<16x512xi32, #tpu.memory_space<vmem>>, vector<16xi32>,
        %parallel_loop3A_175 = arith.constant 0 : i32
        %parallel_loop3A_176 = vector.broadcast %parallel_loop3A_175 : i32 to vector<16xi32>
        %parallel_loop3A_177 = arith.cmpi sge, %parallel_loop3A_174, %parallel_loop3A_176 : vector<16xi32>
        %parallel_loop3A_178 = arith.constant 150 : i32
        %parallel_loop3A_179 = vector.broadcast %parallel_loop3A_178 : i32 to vector<16xi32>
        %parallel_loop3A_180 = arith.cmpi slt, %parallel_loop3A_174, %parallel_loop3A_179 : vector<16xi32>
        %parallel_loop3A_181 = arith.andi %parallel_loop3A_177, %parallel_loop3A_180 : vector<16xi1>
        %parallel_loop3A_182 = arith.constant 150 : i32
        %parallel_loop3A_183 = vector.broadcast %parallel_loop3A_182 : i32 to vector<16xi32>
        %parallel_loop3A_184 = arith.muli %parallel_loop3A_174, %parallel_loop3A_183 : vector<16xi32>
        %parallel_loop3A_185 = arith.addi %parallel_loop3A_184, %parallel_loop3A_171 : vector<16xi32>
        tpu.vector_store_idx %arg9[%parallel_loop3A_185], %broadcast_in_dim3A_35 masked %parallel_loop3A_181 {add = true} : memref<22528xf32, #tpu.memory_space<vmem>>[vector<16xi32>], vector<16xf32>, vector<16xi1>
      } {sc.loop_unroll_factor = 8 : i64, sc.parallel_access}
      %add3A_92 = arith.constant 2 : i32
      %add3A_93 = arith.addi %add3A_74, %add3A_92 : i32
      %lt3A_94 = arith.constant 16 : i32
      %lt3A_95 = arith.cmpi slt, %add3A_93, %lt3A_94 : i32
      %convert_element_type3A = arith.extui %lt3A_95 : i1 to i32
      %cond3A = arith.constant 0 : i32
      %cond3A_96 = arith.cmpi ne, %convert_element_type3A, %cond3A : i32
      scf.if %cond3A_96 {
        %add3A_126 = arith.constant 2 : i32
        %add3A_127 = arith.addi %add3A_74, %add3A_126 : i32
        %mul3A_128 = arith.constant 16 : i32
        %mul3A_129 = arith.muli %add3A_127, %mul3A_128 : i32
        %add3A_130 = arith.addi %mul3A_32, %mul3A_129 : i32
        %dma_start3A_131 = arith.constant 0 : i32
        %dma_start3A_132 = tpu.memref_slice %arg2[%select_n3A, %add3A_130, %dma_start3A_131] : memref<16x512x512xi32, #tpu.memory_space<hbm>> -> memref<1x16x512xi32, #tpu.memory_space<hbm>>
        %dma_start3A_133 = tpu.memref_squeeze %dma_start3A_132 : memref<1x16x512xi32, #tpu.memory_space<hbm>> -> memref<16x512xi32, #tpu.memory_space<hbm>>
        %dma_start3A_134 = arith.constant 0 : i32
        %dma_start3A_135 = tpu.memref_slice %arg2[%select_n3A, %add3A_130, %dma_start3A_134] : memref<16x512x512xi32, #tpu.memory_space<hbm>> -> memref<1x16x512xi32, #tpu.memory_space<hbm>>
        %dma_start3A_136 = tpu.memref_squeeze %dma_start3A_135 : memref<1x16x512xi32, #tpu.memory_space<hbm>> -> memref<16x512xi32, #tpu.memory_space<hbm>>
        tpu.enqueue_dma source(%dma_start3A_136 : memref<16x512xi32, #tpu.memory_space<hbm>>) target(%arg5 : memref<16x512xi32, #tpu.memory_space<vmem>>) target_semaphore(%arg10 : memref<!tpu.dma_semaphore, #tpu.memory_space<semaphore_mem>>)
        %dma_start3A_137 = arith.constant 0 : i32
        %dma_start3A_138 = tpu.memref_slice %arg3[%select_n3A, %add3A_130, %dma_start3A_137] : memref<16x512x512xi32, #tpu.memory_space<hbm>> -> memref<1x16x512xi32, #tpu.memory_space<hbm>>
        %dma_start3A_139 = tpu.memref_squeeze %dma_start3A_138 : memref<1x16x512xi32, #tpu.memory_space<hbm>> -> memref<16x512xi32, #tpu.memory_space<hbm>>
        %dma_start3A_140 = arith.constant 0 : i32
        %dma_start3A_141 = tpu.memref_slice %arg3[%select_n3A, %add3A_130, %dma_start3A_140] : memref<16x512x512xi32, #tpu.memory_space<hbm>> -> memref<1x16x512xi32, #tpu.memory_space<hbm>>
        %dma_start3A_142 = tpu.memref_squeeze %dma_start3A_141 : memref<1x16x512xi32, #tpu.memory_space<hbm>> -> memref<16x512xi32, #tpu.memory_space<hbm>>
        tpu.enqueue_dma source(%dma_start3A_142 : memref<16x512xi32, #tpu.memory_space<hbm>>) target(%arg7 : memref<16x512xi32, #tpu.memory_space<vmem>>) target_semaphore(%arg10 : memref<!tpu.dma_semaphore, #tpu.memory_space<semaphore_mem>>)
      } else {
      }
      %mul3A_97 = arith.constant 2 : i32
      %mul3A_98 = arith.muli %mul3A_97, %scan3A_70 : i32
      %add3A_99 = arith.constant 1 : i32
      %add3A_100 = arith.addi %mul3A_98, %add3A_99 : i32
      %mul3A_101 = arith.constant 16 : i32
      %mul3A_102 = arith.muli %add3A_100, %mul3A_101 : i32
      %add3A_103 = arith.addi %mul3A_32, %mul3A_102 : i32
      %dma_wait3A_104 = arith.constant 0 : i32
      %dma_wait3A_105 = tpu.memref_slice %arg2[%select_n3A, %add3A_103, %dma_wait3A_104] : memref<16x512x512xi32, #tpu.memory_space<hbm>> -> memref<1x16x512xi32, #tpu.memory_space<hbm>>
      %dma_wait3A_106 = tpu.memref_squeeze %dma_wait3A_105 : memref<1x16x512xi32, #tpu.memory_space<hbm>> -> memref<16x512xi32, #tpu.memory_space<hbm>>
      %dma_wait3A_107 = arith.constant 0 : i32
      %dma_wait3A_108 = tpu.memref_slice %arg2[%select_n3A, %add3A_103, %dma_wait3A_107] : memref<16x512x512xi32, #tpu.memory_space<hbm>> -> memref<1x16x512xi32, #tpu.memory_space<hbm>>
      %dma_wait3A_109 = tpu.memref_squeeze %dma_wait3A_108 : memref<1x16x512xi32, #tpu.memory_space<hbm>> -> memref<16x512xi32, #tpu.memory_space<hbm>>
      tpu.wait_dma2 semaphore(%arg11 : memref<!tpu.dma_semaphore, #tpu.memory_space<semaphore_mem>>) src(%dma_wait3A_109 : memref<16x512xi32, #tpu.memory_space<hbm>>) dst(%arg6 : memref<16x512xi32, #tpu.memory_space<vmem>>)
      %dma_wait3A_110 = arith.constant 0 : i32
      %dma_wait3A_111 = tpu.memref_slice %arg3[%select_n3A, %add3A_103, %dma_wait3A_110] : memref<16x512x512xi32, #tpu.memory_space<hbm>> -> memref<1x16x512xi32, #tpu.memory_space<hbm>>
      %dma_wait3A_112 = tpu.memref_squeeze %dma_wait3A_111 : memref<1x16x512xi32, #tpu.memory_space<hbm>> -> memref<16x512xi32, #tpu.memory_space<hbm>>
      %dma_wait3A_113 = arith.constant 0 : i32
      %dma_wait3A_114 = tpu.memref_slice %arg3[%select_n3A, %add3A_103, %dma_wait3A_113] : memref<16x512x512xi32, #tpu.memory_space<hbm>> -> memref<1x16x512xi32, #tpu.memory_space<hbm>>
      %dma_wait3A_115 = tpu.memref_squeeze %dma_wait3A_114 : memref<1x16x512xi32, #tpu.memory_space<hbm>> -> memref<16x512xi32, #tpu.memory_space<hbm>>
      tpu.wait_dma2 semaphore(%arg11 : memref<!tpu.dma_semaphore, #tpu.memory_space<semaphore_mem>>) src(%dma_wait3A_115 : memref<16x512xi32, #tpu.memory_space<hbm>>) dst(%arg8 : memref<16x512xi32, #tpu.memory_space<vmem>>)
      %parallel_loop3A_116 = arith.constant 0 : i32
      %parallel_loop3A_117 = arith.constant 512 : i32
      %parallel_loop3A_118 = arith.constant 1 : i32
      scf.for %parallel_loop3A_126 = %parallel_loop3A_116 to %parallel_loop3A_117 step %parallel_loop3A_118  : i32 {
        %parallel_loop3A_127 = arith.constant 32 : i32
        %parallel_loop3A_128 = arith.divsi %parallel_loop3A_126, %parallel_loop3A_127 : i32
        %parallel_loop3A_129 = arith.constant 0 : i32
        %parallel_loop3A_130 = arith.cmpi sgt, %parallel_loop3A_126, %parallel_loop3A_129 : i32
        %parallel_loop3A_131 = arith.extui %parallel_loop3A_130 : i1 to i32
        %parallel_loop3A_132 = arith.constant 0 : i32
        %parallel_loop3A_133 = arith.cmpi slt, %parallel_loop3A_126, %parallel_loop3A_132 : i32
        %parallel_loop3A_134 = arith.extui %parallel_loop3A_133 : i1 to i32
        %parallel_loop3A_135 = arith.subi %parallel_loop3A_131, %parallel_loop3A_134 : i32
        %parallel_loop3A_136 = arith.constant 0 : i32
        %parallel_loop3A_137 = arith.cmpi sgt, %parallel_loop3A_127, %parallel_loop3A_136 : i32
        %parallel_loop3A_138 = arith.extui %parallel_loop3A_137 : i1 to i32
        %parallel_loop3A_139 = arith.constant 0 : i32
        %parallel_loop3A_140 = arith.cmpi slt, %parallel_loop3A_127, %parallel_loop3A_139 : i32
        %parallel_loop3A_141 = arith.extui %parallel_loop3A_140 : i1 to i32
        %parallel_loop3A_142 = arith.subi %parallel_loop3A_138, %parallel_loop3A_141 : i32
        %parallel_loop3A_143 = arith.cmpi ne, %parallel_loop3A_135, %parallel_loop3A_142 : i32
        %parallel_loop3A_144 = arith.remsi %parallel_loop3A_126, %parallel_loop3A_127 : i32
        %parallel_loop3A_145 = arith.constant 0 : i32
        %parallel_loop3A_146 = arith.cmpi ne, %parallel_loop3A_144, %parallel_loop3A_145 : i32
        %parallel_loop3A_147 = arith.andi %parallel_loop3A_143, %parallel_loop3A_146 : i1
        %parallel_loop3A_148 = arith.constant 1 : i32
        %parallel_loop3A_149 = arith.subi %parallel_loop3A_128, %parallel_loop3A_148 : i32
        %parallel_loop3A_150 = arith.select %parallel_loop3A_147, %parallel_loop3A_149, %parallel_loop3A_128 : i32
        %parallel_loop3A_151 = arith.constant 32 : i32
        %parallel_loop3A_152 = arith.constant 0 : i32
        %parallel_loop3A_153 = arith.cmpi eq, %parallel_loop3A_151, %parallel_loop3A_152 : i32
        %parallel_loop3A_154 = arith.constant 1 : i32
        %parallel_loop3A_155 = arith.select %parallel_loop3A_153, %parallel_loop3A_154, %parallel_loop3A_151 : i32
        %parallel_loop3A_156 = arith.remsi %parallel_loop3A_126, %parallel_loop3A_155 : i32
        %parallel_loop3A_157 = arith.constant 0 : i32
        %parallel_loop3A_158 = arith.cmpi ne, %parallel_loop3A_156, %parallel_loop3A_157 : i32
        %parallel_loop3A_159 = arith.constant 0 : i32
        %parallel_loop3A_160 = arith.cmpi slt, %parallel_loop3A_156, %parallel_loop3A_159 : i32
        %parallel_loop3A_161 = arith.constant 0 : i32
        %parallel_loop3A_162 = arith.cmpi slt, %parallel_loop3A_155, %parallel_loop3A_161 : i32
        %parallel_loop3A_163 = arith.xori %parallel_loop3A_160, %parallel_loop3A_162 : i1
        %parallel_loop3A_164 = arith.andi %parallel_loop3A_163, %parallel_loop3A_158 : i1
        %parallel_loop3A_165 = arith.addi %parallel_loop3A_156, %parallel_loop3A_155 : i32
        %parallel_loop3A_166 = arith.select %parallel_loop3A_164, %parallel_loop3A_165, %parallel_loop3A_156 : i32
        %parallel_loop3A_167 = arith.constant 16 : i32
        %parallel_loop3A_168 = arith.muli %parallel_loop3A_166, %parallel_loop3A_167 : i32
        %parallel_loop3A_169 = arith.index_cast %parallel_loop3A_150 : i32 to index
        %parallel_loop3A_170 = arith.index_cast %parallel_loop3A_168 : i32 to index
        %parallel_loop3A_171 = tpu.vector_load %arg6[%parallel_loop3A_169, %parallel_loop3A_170] {strides = array<i32>} : memref<16x512xi32, #tpu.memory_space<vmem>>, vector<16xi32>,
        %parallel_loop3A_172 = arith.index_cast %parallel_loop3A_150 : i32 to index
        %parallel_loop3A_173 = arith.index_cast %parallel_loop3A_168 : i32 to index
        %parallel_loop3A_174 = tpu.vector_load %arg8[%parallel_loop3A_172, %parallel_loop3A_173] {strides = array<i32>} : memref<16x512xi32, #tpu.memory_space<vmem>>, vector<16xi32>,
        %parallel_loop3A_175 = arith.constant 0 : i32
        %parallel_loop3A_176 = vector.broadcast %parallel_loop3A_175 : i32 to vector<16xi32>
        %parallel_loop3A_177 = arith.cmpi sge, %parallel_loop3A_174, %parallel_loop3A_176 : vector<16xi32>
        %parallel_loop3A_178 = arith.constant 150 : i32
        %parallel_loop3A_179 = vector.broadcast %parallel_loop3A_178 : i32 to vector<16xi32>
        %parallel_loop3A_180 = arith.cmpi slt, %parallel_loop3A_174, %parallel_loop3A_179 : vector<16xi32>
        %parallel_loop3A_181 = arith.andi %parallel_loop3A_177, %parallel_loop3A_180 : vector<16xi1>
        %parallel_loop3A_182 = arith.constant 150 : i32
        %parallel_loop3A_183 = vector.broadcast %parallel_loop3A_182 : i32 to vector<16xi32>
        %parallel_loop3A_184 = arith.muli %parallel_loop3A_174, %parallel_loop3A_183 : vector<16xi32>
        %parallel_loop3A_185 = arith.addi %parallel_loop3A_184, %parallel_loop3A_171 : vector<16xi32>
        tpu.vector_store_idx %arg9[%parallel_loop3A_185], %broadcast_in_dim3A_35 masked %parallel_loop3A_181 {add = true} : memref<22528xf32, #tpu.memory_space<vmem>>[vector<16xi32>], vector<16xf32>, vector<16xi1>
      } {sc.loop_unroll_factor = 8 : i64, sc.parallel_access}
      %add3A_119 = arith.constant 2 : i32
      %add3A_120 = arith.addi %add3A_100, %add3A_119 : i32
      %lt3A_121 = arith.constant 16 : i32
      %lt3A_122 = arith.cmpi slt, %add3A_120, %lt3A_121 : i32
      %convert_element_type3A_123 = arith.extui %lt3A_122 : i1 to i32
      %cond3A_124 = arith.constant 0 : i32
      %cond3A_125 = arith.cmpi ne, %convert_element_type3A_123, %cond3A_124 : i32
      scf.if %cond3A_125 {
        %add3A_126 = arith.constant 2 : i32
        %add3A_127 = arith.addi %add3A_100, %add3A_126 : i32
        %mul3A_128 = arith.constant 16 : i32
        %mul3A_129 = arith.muli %add3A_127, %mul3A_128 : i32
        %add3A_130 = arith.addi %mul3A_32, %mul3A_129 : i32
        %dma_start3A_131 = arith.constant 0 : i32
        %dma_start3A_132 = tpu.memref_slice %arg2[%select_n3A, %add3A_130, %dma_start3A_131] : memref<16x512x512xi32, #tpu.memory_space<hbm>> -> memref<1x16x512xi32, #tpu.memory_space<hbm>>
        %dma_start3A_133 = tpu.memref_squeeze %dma_start3A_132 : memref<1x16x512xi32, #tpu.memory_space<hbm>> -> memref<16x512xi32, #tpu.memory_space<hbm>>
        %dma_start3A_134 = arith.constant 0 : i32
        %dma_start3A_135 = tpu.memref_slice %arg2[%select_n3A, %add3A_130, %dma_start3A_134] : memref<16x512x512xi32, #tpu.memory_space<hbm>> -> memref<1x16x512xi32, #tpu.memory_space<hbm>>
        %dma_start3A_136 = tpu.memref_squeeze %dma_start3A_135 : memref<1x16x512xi32, #tpu.memory_space<hbm>> -> memref<16x512xi32, #tpu.memory_space<hbm>>
        tpu.enqueue_dma source(%dma_start3A_136 : memref<16x512xi32, #tpu.memory_space<hbm>>) target(%arg6 : memref<16x512xi32, #tpu.memory_space<vmem>>) target_semaphore(%arg11 : memref<!tpu.dma_semaphore, #tpu.memory_space<semaphore_mem>>)
        %dma_start3A_137 = arith.constant 0 : i32
        %dma_start3A_138 = tpu.memref_slice %arg3[%select_n3A, %add3A_130, %dma_start3A_137] : memref<16x512x512xi32, #tpu.memory_space<hbm>> -> memref<1x16x512xi32, #tpu.memory_space<hbm>>
        %dma_start3A_139 = tpu.memref_squeeze %dma_start3A_138 : memref<1x16x512xi32, #tpu.memory_space<hbm>> -> memref<16x512xi32, #tpu.memory_space<hbm>>
        %dma_start3A_140 = arith.constant 0 : i32
        %dma_start3A_141 = tpu.memref_slice %arg3[%select_n3A, %add3A_130, %dma_start3A_140] : memref<16x512x512xi32, #tpu.memory_space<hbm>> -> memref<1x16x512xi32, #tpu.memory_space<hbm>>
        %dma_start3A_142 = tpu.memref_squeeze %dma_start3A_141 : memref<1x16x512xi32, #tpu.memory_space<hbm>> -> memref<16x512xi32, #tpu.memory_space<hbm>>
        tpu.enqueue_dma source(%dma_start3A_142 : memref<16x512xi32, #tpu.memory_space<hbm>>) target(%arg8 : memref<16x512xi32, #tpu.memory_space<vmem>>) target_semaphore(%arg11 : memref<!tpu.dma_semaphore, #tpu.memory_space<semaphore_mem>>)
      } else {
      }
    }
    %scan3A_69 = arith.constant 8 : i32
    "tpu.region"() ({
      %run_scoped3A = tpu.sem_alloc : memref<!tpu.dma_semaphore, #tpu.memory_space<semaphore_mem>>
      %dma_start3A_70 = arith.constant 0 : i32
      %dma_start3A_71 = tpu.memref_slice %arg4[%add3A, %dma_start3A_70] : memref<32x22528xf32, #tpu.memory_space<hbm>> -> memref<1x22528xf32, #tpu.memory_space<hbm>>
      %dma_start3A_72 = tpu.memref_squeeze %dma_start3A_71 : memref<1x22528xf32, #tpu.memory_space<hbm>> -> memref<22528xf32, #tpu.memory_space<hbm>>
      %dma_start3A_73 = arith.constant 0 : i32
      %dma_start3A_74 = tpu.memref_slice %arg4[%add3A, %dma_start3A_73] : memref<32x22528xf32, #tpu.memory_space<hbm>> -> memref<1x22528xf32, #tpu.memory_space<hbm>>
      %dma_start3A_75 = tpu.memref_squeeze %dma_start3A_74 : memref<1x22528xf32, #tpu.memory_space<hbm>> -> memref<22528xf32, #tpu.memory_space<hbm>>
      tpu.enqueue_dma source(%arg9 : memref<22528xf32, #tpu.memory_space<vmem>>) target(%dma_start3A_75 : memref<22528xf32, #tpu.memory_space<hbm>>) target_semaphore(%run_scoped3A : memref<!tpu.dma_semaphore, #tpu.memory_space<semaphore_mem>>)
      %dma_wait3A = arith.constant 0 : i32
      %dma_wait3A_76 = tpu.memref_slice %arg4[%add3A, %dma_wait3A] : memref<32x22528xf32, #tpu.memory_space<hbm>> -> memref<1x22528xf32, #tpu.memory_space<hbm>>
      %dma_wait3A_77 = tpu.memref_squeeze %dma_wait3A_76 : memref<1x22528xf32, #tpu.memory_space<hbm>> -> memref<22528xf32, #tpu.memory_space<hbm>>
      %dma_wait3A_78 = arith.constant 0 : i32
      %dma_wait3A_79 = tpu.memref_slice %arg4[%add3A, %dma_wait3A_78] : memref<32x22528xf32, #tpu.memory_space<hbm>> -> memref<1x22528xf32, #tpu.memory_space<hbm>>
      %dma_wait3A_80 = tpu.memref_squeeze %dma_wait3A_79 : memref<1x22528xf32, #tpu.memory_space<hbm>> -> memref<22528xf32, #tpu.memory_space<hbm>>
      tpu.wait_dma2 semaphore(%run_scoped3A : memref<!tpu.dma_semaphore, #tpu.memory_space<semaphore_mem>>) src(%arg9 : memref<22528xf32, #tpu.memory_space<vmem>>) dst(%dma_wait3A_80 : memref<22528xf32, #tpu.memory_space<hbm>>)
      tpu.yield
    }) : () -> ()
    return
  }
}

</mosaic_0001>

<sc_bundles>
// kernel: kernel.3.cloned.1.call-start
scs
__scs_entry_jumppad:
0x0: {  	(pc) =	sbr.rel $0x88, $3  }
0x1: {  	(tag) =	ssettag $0x0;
	lr =	simm.s32 $0x1  }
0x2: {  	[smem:$0x3F9E] =	sst lr;
	_ =	strace $0xD0000000  }
0x3: {  	_ = 	snop  }
0x4: {  	_ = 	snop  }
0x5: {  	_ = 	snop  }
0x6: {  	_ = 	snop  }
0x7: {  	_ = 	snop  }
__scs_overlays_trampoline_lowered:
0x8: {  	[smem:$0x3FAD] =	sst s0  }
0x9: {  	[smem:$0x3FAE] =	sst s1  }
0xa: {  	[smem:$0x3FAF] =	sst s2  }
0xb: {  	[smem:$0x3FB0] =	sst s3  }
0xc: {  	[smem:$0x3FB1] =	sst s4  }
0xd: {  	[smem:$0x3FB2] =	sst s5  }
0xe: {  	[smem:$0x3FB3] =	sst s6  }
0xf: {  	[smem:$0x3FB4] =	sst s7  }
0x10: {  	[smem:$0x3FB5] =	sst s8  }
0x11: {  	[smem:$0x3FB6] =	sst s9;
	s0 =	simm.s32 @!p0 $0x0  }
0x12: {  	s1 =	sld [smem:$0x3F9C];
	s0 =	simm.s32 @p0 $0x1  }
0x13: {  	[smem:$0x3FB7] =	sst s0;
	s0 =	simm.s32 @!p1 $0x0  }
0x14: {  	s2 =	sld [smem:$0x3F9B];
	s0 =	simm.s32 @p1 $0x1  }
0x15: {  	[smem:$0x3FB8] =	sst s0;
	s0 =	simm.s32 @!p2 $0x0  }
0x16: {  	s3 =	sld [smem:$0x3FDB];
	s0 =	simm.s32 @p2 $0x1  }
0x17: {  	s4 =	simm.s32 $0x1BF5;
	[smem:$0x3FBA] =	sst s0  }
0x18: {  	s0 =	sld [smem:$0x3F9D];
	_ =	swait.ge [sflag:s4], $0x0  }
0x19: {  	s7 =	sld [smem:$0x3F9E]  }
0x1a: {  	s8 =	sadd.s32 $0xFFFFE003, lr  }
0x1b: {  	s9 =	sadd.s32 $0xFFFFFEF7, lr;
	s5 =	simm.s32 $0xFFFFFFFF;
	p2 =	slt.u32 s8, $0xFFFFF086  }
0x1c: {  	p1 =	slt.u32 s9, $0xF7A;
	s5 =	simm.s32 @!p2 $0x0  }
0x1d: {  	s5 =	simm.s32 @p1 $0x1;
	p0 =	seq.s32 s7, s2  }
0x1e: {  	s7 =	smul.u32 @!p0 $0xF7A, s2;
	p2 =	seq.s32 @!p0 s5, $0x0  }
0x1f: {  	s9 =	smul.u32 $0xF7A, s1;
	s8 =	simm.s32 @!p0 $0x1BF5;
	p2 =	por !p2, p0  }
0x20: {  	[sflag:s8] =	ssyncset.s32 @!p0 $0xFFFFF086;
	s6 =	sadd.s32 @!p0 s3, s7;
	s7 =	simm.s32 @!p0 $0x108  }
0x21: {  	s3 =	sadd.s32 s3, s9;
	s6 =	sadd.s32 @!p0 $0x88, s6;
	s7 =	simm.s32 @p2 $0x1082  }
0x22: {  	[simem:s7], [sflag:s8] =	dma.local @!p0 [hbm:s6], $0xF7A  }
0x23: {  	s9 =	sor.u32 $0xD0000000, s2;
	s6 =	simm.s32 $0x108;
	_ =	swait.ge @!p0 [sflag:s8], $0x0  }
0x24: {  	s3 =	sadd.s32 $0x88, s3;
	s6 =	simm.s32 @!p1 $0x1082;
	[sflag:s4] =	ssyncset.s32 $0xFFFFF086  }
0x25: {  	[simem:s6], [sflag:s4] =	dma.local [hbm:s3], $0xF7A  }
0x26: {  	[smem:$0x3F9E] =	sst s1;
	(tag) =	ssettag s2;
	_ =	strace s9  }
0x27: {  	s1 =	sld [smem:$0x3FAE]  }
0x28: {  	s2 =	sld [smem:$0x3FAF]  }
0x29: {  	s4 =	sld [smem:$0x3FB1]  }
0x2a: {  	p0 =	seq.s32 s5, $0x0;
	s5 =	sld [smem:$0x3FB2]  }
0x2b: {  	s6 =	sld [smem:$0x3FB3]  }
0x2c: {  	s7 =	sld [smem:$0x3FB4]  }
0x2d: {  	s3 =	simm.s32 $0x108;
	s8 =	sld [smem:$0x3FB5]  }
0x2e: {  	s3 =	simm.s32 @!p0 $0x1082;
	s9 =	sld [smem:$0x3FB6]  }
0x2f: {  	lr =	sadd.s32 s0, s3;
	s0 =	sld [smem:$0x3FAD]  }
0x30: {  	s3 =	sld [smem:$0x3FB0]  }
0x31: {  	[smem:$0x3FB9] =	sst s10  }
0x32: {  	s10 =	sld [smem:$0x3FB7];
	_ =	sdelay $0x3  }
0x33: {  	p0 =	seq.s32 s10, $0x1;
	s10 =	sld [smem:$0x3FB9];
	_ =	sdelay $0x3  }
0x34: {  	[smem:$0x3FB9] =	sst s10  }
0x35: {  	s10 =	sld [smem:$0x3FB8];
	_ =	sdelay $0x3  }
0x36: {  	p1 =	seq.s32 s10, $0x1;
	s10 =	sld [smem:$0x3FB9];
	_ =	sdelay $0x3  }
0x37: {  	[smem:$0x3FB9] =	sst s10  }
0x38: {  	s10 =	sld [smem:$0x3FBA]  }
0x39: {  	_ = 	snop;
	(pc) =	sbr.ind lr, $3  }
0x3a: {  	_ = 	snop  }
0x3b: {  	_ = 	snop  }
0x3c: {  	p2 =	seq.s32 s10, $0x1;
	s10 =	sld [smem:$0x3FB9]  }
0x3d: {  	_ =	shalt  }
0x3e: {  	_ =	shalt  }
0x3f: {  	_ =	shalt  }
0x40: {  	_ =	shalt  }
0x41: {  	_ =	shalt  }
0x42: {  	_ =	shalt  }
0x43: {  	_ =	shalt  }
0x44: {  	_ =	shalt  }
0x45: {  	_ =	shalt  }
0x46: {  	_ =	shalt  }
0x47: {  	_ =	shalt  }
0x48: {  	_ =	shalt  }
0x49: {  	_ =	shalt  }
0x4a: {  	_ =	shalt  }
0x4b: {  	_ =	shalt  }
0x4c: {  	_ =	shalt  }
0x4d: {  	_ =	shalt  }
0x4e: {  	_ =	shalt  }
0x4f: {  	_ =	shalt  }
0x50: {  	_ =	shalt  }
0x51: {  	_ =	shalt  }
0x52: {  	_ =	shalt  }
0x53: {  	_ =	shalt  }
0x54: {  	_ =	shalt  }
0x55: {  	_ =	shalt  }
0x56: {  	_ =	shalt  }
0x57: {  	_ =	shalt  }
0x58: {  	_ =	shalt  }
0x59: {  	_ =	shalt  }
0x5a: {  	_ =	shalt  }
0x5b: {  	_ =	shalt  }
0x5c: {  	_ =	shalt  }
0x5d: {  	_ =	shalt  }
0x5e: {  	_ =	shalt  }
0x5f: {  	_ =	shalt  }
0x60: {  	_ =	shalt  }
0x61: {  	_ =	shalt  }
0x62: {  	_ =	shalt  }
0x63: {  	_ =	shalt  }
0x64: {  	_ =	shalt  }
0x65: {  	_ =	shalt  }
0x66: {  	_ =	shalt  }
0x67: {  	_ =	shalt  }
0x68: {  	_ =	shalt  }
0x69: {  	_ =	shalt  }
0x6a: {  	_ =	shalt  }
0x6b: {  	_ =	shalt  }
0x6c: {  	_ =	shalt  }
0x6d: {  	_ =	shalt  }
0x6e: {  	_ =	shalt  }
0x6f: {  	_ =	shalt  }
0x70: {  	_ =	shalt  }
0x71: {  	_ =	shalt  }
0x72: {  	_ =	shalt  }
0x73: {  	_ =	shalt  }
0x74: {  	_ =	shalt  }
0x75: {  	_ =	shalt  }
0x76: {  	_ =	shalt  }
0x77: {  	_ =	shalt  }
0x78: {  	_ =	shalt  }
0x79: {  	_ =	shalt  }
0x7a: {  	_ =	shalt  }
0x7b: {  	_ =	shalt  }
0x7c: {  	_ =	shalt  }
0x7d: {  	_ =	shalt  }
0x7e: {  	_ =	shalt  }
0x7f: {  	_ =	shalt  }
0x80: {  	_ =	shalt  }
0x81: {  	_ =	shalt  }
0x82: {  	_ =	shalt  }
0x83: {  	_ =	shalt  }
0x84: {  	_ =	shalt  }
0x85: {  	_ =	shalt  }
0x86: {  	_ =	shalt  }
0x87: {  	_ =	shalt  }
.Lfunc_end0:
.L_simem_size_0:
called_computation_lowered:
.L_overlay_start_0:
0x88: {  	s2 =	sld [smem:$0x3FD9]  }
0x89: {  	s3 =	sld [smem:$0x3FFE];
	_ =	sdelay $0x1  }
0x8a: {  	s1 =	srdreg.scid  }
0x8b: {  	s0 =	sand.u32 $0x1, s1  }
0x8c: {  	s17 =	sshll.u32 s0, $0xA;
	s2 =	sadd.s32 s3, s2  }
0x8d: {  	s2 =	sadd.s32 s2, s17  }
0x8e: {  	[smem:$0x3FC5] =	sst s2  }
0x8f: {  	_ = 	snop  }
0x90: {  	s2 =	sld [smem:$0x3FC9]  }
0x91: {  	s18 =	sld [smem:$0x3FC8];
	(tm) =	ssettm $0x1  }
0x92: {  	s4 =	sld [smem:$0x3FFB];
	_ =	sdelay $0x3  }
0x93: {  	_ =	strace s4  }
0x94: {  	s4 =	sld [smem:$0x3FFC];
	_ =	sdelay $0x3  }
0x95: {  	_ =	strace s4  }
0x96: {  	s4 =	sld [smem:$0x3FFD];
	_ =	sdelay $0x3  }
0x97: {  	_ =	strace s4  }
0x98: {  	_ =	strace $0x8FFFFFFF  }
0x99: {  	s19 =	sld [smem:$0x3FDB];
	_ =	sdelay $0x1  }
0x9a: {  	s5 =	simm.s32 $_scs_section_size  }
0x9b: {  	s6 =	simm.s32 $_size__tile_overlayer_lowered;
	s7 =	simm.s32 $_tile_overlayer_lowered  }
0x9c: {  	s22 =	simm.s32 $0x1BFF;
	s21 =	sshll.u32 s7, $0x1;
	s4 =	sadd.s32 s5, s19  }
0x9d: {  	s8 =	simm.s32 $0x0;
	s20 =	sshll.u32 s6, $0x1;
	s6 =	sadd.s32 s21, s4  }
0x9e: {  	[timem:s8], [sflag:s22] =	dma.local [hbm:s6], s20  }
0x9f: {  	_ =	swait.ge [sflag:s22], s20  }
0xa0: {  	s5 =	ssub.s32 $0x0, s20;
	[sflag:s22] =	ssyncset.done $0x0  }
0xa1: {  	[sflag:s22] =	ssyncadd.s32 s5;
	_ =	sdelay $0x1  }
0xa2: {  	s23 =	simm.s32 $0x1B8B  }
0xa3: {  	_ =	swait.ge [sflag:s23], $0x1  }
0xa4: {  	[sflag:s23] =	ssyncset.done $0x0  }
0xa5: {  	s25 =	simm.s32 $0x1B8E;
	s24 =	sld [smem:$0x3FFE];
	[sflag:s23] =	ssyncadd.s32 $0xFFFFFFFF  }
0xa6: {  	s26 =	simm.s32 $execute0_lowered;
	[smem:$0x3FD2] =	sst s25  }
0xa7: {  	s6 =	sshll.u32 s26, $0x1;
	_ =	strace $0x80000046;
	[dreg:$0x1] =	wrdreg $0xFFFFFFFF  }
0xa8: {  	s28 =	simm.s32 $_size_execute0_lowered;
	s4 =	sadd.s32 s4, s6;
	[dreg:$0x0] =	wrdreg $0x0  }
0xa9: {  	s6 =	sshll.u32 s28, $0x1;
	[dreg:$0x2] =	wrdreg s4  }
0xaa: {  	[dreg:$0x3] =	wrdreg s6  }
0xab: {  	[dreg:$0x4] =	wrdreg $0xC0  }
0xac: {  	_ =	task [dreg:s8], $0x5FFFF  }
0xad: {  	[dreg:$0x1] =	wrdreg $0xFFFFFFFF  }
0xae: {  	[dreg:$0x0] =	wrdreg $0x60  }
0xaf: {  	[dreg:$0x2] =	wrdreg s2  }
0xb0: {  	[dreg:$0x3] =	wrdreg s18  }
0xb1: {  	[dreg:$0x4] =	wrdreg s24  }
0xb2: {  	[dreg:$0x5] =	wrdreg $0x9  }
0xb3: {  	_ =	task.clear_ibuf [dreg:s8], $0x6FFFF;
	_ =	strace $0x90000046  }
0xb4: {  	s29 =	simm.s32 $0x9;
	_ =	strace $0x80000048  }
0xb5: {  	_ =	swait.ge [sflag:s29], $0x1  }
0xb6: {  	[sflag:s29] =	ssyncadd.s32 $0xFFFFFFFF  }
0xb7: {  	_ =	strace $0x90000048  }
0xb8: {  	_ =	sfence  }
0xb9: {  	s30 =	sld [smem:$0x0];
	_ =	sdelay $0x2  }
0xba: {  	s31 =	sshll.u32 s1, $0xD;
	s1 =	sshrl.u32 s1, $0x2  }
0xbb: {  	s3 =	sand.u32 $0x4000, s31;
	s1 =	sadd.s32 s1, s30  }
0xbc: {  	s0 =	sor.u32 s3, s0;
	s1 =	sshll.u32 s1, $0x11  }
0xbd: {  	s0 =	sor.u32 s1, s0  }
0xbe: {  	s0 =	sadd.s32 $0x8F2B, s0  }
0xbf: {  	[sflag:s0] =	ssyncadd.remote.s32 $0x1  }
0xc0: {  	_ =	sfence.sel $0xFFFF  }
0xc1: {  	[dreg:$0x0] =	wrdreg $0xFFFFFFFF;
	(pc) =	sbr.abs _section_cstart, $3  }
0xc2: {  	[dreg:$0x1] =	wrdreg $0xFFFFFFFF  }
0xc3: {  	_ =	task.clear_ibuf [dreg:s8], $0x2FFFF;
	_ =	strace $0x9FFFFFFF  }
0xc4: {  	(tm) =	ssettm $0x7FFFFFFF  }
0xc5: {  	_ =	shalt  }
tec
execute0_lowered:
.L_overlay_start_1:
0x0: {  	(tag) =	ssettag $0x1  }
0x1: {  	s1 =	rddreg [dreg:$0x0]  }
0x2: {  	s3 =	rddreg [dreg:$0x1];
	s2 =	srdreg.scid  }
0x3: {  	s0 =	stileid.u32;
	s5 =	rddreg [dreg:$0x2]  }
0x4: {  	s4 =	simm.s32 $0x0;
	s9 =	simm.s32 $0x1;
	s14 =	simm.s32 $0x4000  }
0x5: {  	s15 =	simm.s32 $0x2000;
	s16 =	simm.s32 $0x6000;
	s17 =	simm.s32 $0x8000  }
0x6: {  	s18 =	simm.s32 $0x2;
	s19 =	simm.s32 $0x80;
	s20 =	simm.s32 $0x400  }
0x7: {  	s21 =	simm.s32 $0x3;
	s22 =	simm.s32 $0x0;
	s6 =	sand.u32 $0x1, s2  }
0x8: {  	s7 =	sshll.u32 s0, $0x1;
	s2 =	rddreg [dreg:$0x3];
	s8 =	sshrl.u32 s0, $0x2  }
0x9: {  	[smem:$0x7FF] =	sst s4;
	s7 =	sor.u32 s6, s7;
	p1 =	seq.s32 s6, $0x1  }
0xa: {  	s8 =	smul.u32 $0x2C000, s8;
	_ =	strace $0x80000047;
	p0 =	seq.s32 s7, $0x0  }
0xb: {  	s29 =	ssub.s32 $0x2, s6;
	s6 =	sshll.u32 s6, $0x11;
	p0 =	por !p0, !p1  }
0xc: {  	s7 =	sshll.u32 s7, $0x7;
	s30 =	sshrl.u32 s29, $0x1;
	p0 =	por !p0, !p0  }
0xd: {  	s7 =	sand.u32 $0x380, s7;
	s13 =	ssub.s32 s29, s30;
	s9 =	simm.s32 @!p0 $0x0  }
0xe: {  	s7 =	sor.u32 s8, s7;
	s13 =	smax.u32 s13, $0x1;
	s28 =	ssub.s32 s0, s9  }
.Ltmp0:
0xf: {  	s7 =	sshrl.u32 s7, $0x3;
	s8 =	sshll.u32 s28, $0x12;
	(pc) =	sbr.rel .LBB2_1-.Ltmp0, $4  }
0x10: {  	s12 =	sadd.s32 s7, s5;
	s5 =	simm.s32 $0x1;
	s11 =	sor.u32 s6, s8  }
0x11: {  	s12 =	sadd.s32 $0x200, s12;
	s8 =	sshrl.u32 s11, $0x3;
	s10 =	sor.u32 $0x4000, s11  }
0x12: {  	s11 =	sor.u32 $0x6000, s11;
	s6 =	sadd.s32 s1, s8;
	s31 =	sor.u32 $0x400, s8  }
0x13: {  	v0 =	vimm.f32 $0.0e+00;
	v1 =	vimm.f32 $1.000000000e+00;
	s7 =	sadd.s32 s3, s8;
	s8 =	sadd.s32 s1, s31;
	s9 =	sadd.s32 s3, s31  }
.LBB2_10:
0x14: {  	s22 =	sadd.s32 $0x1, s22  }
0x15: {  	p0 =	sne.s32 s22, s13  }
.Ltmp1:
0x16: {  	_ = 	snop;
	(pc) =	sbr.rel @!p0 .LBB2_11-.Ltmp1, $4  }
0x17: {  	[hbm4b:s12+s19] =	stream.strided.scatter [tilespmem:s17], [sflag:$0x3], $0x5800, s20, s19, $0x38;
	[tilespmem:$0xD800] =	vst v63  }
0x18: {  	_ =	swait.ge [sflag:s21], $0x5800  }
0x19: {  	[sflag:s21] =	ssyncset.done $0x0  }
0x1a: {  	[sflag:s21] =	ssyncadd.s32 $0xFFFFA800  }
.LBB2_1:
0x1b: {  	[tilespmem:s4], [sflag:$0x1] =	stream.linear.gather [hbm4b:s6+s4], $0x2000, $0x38;
	[tilespmem:$0xD800] =	vst v63  }
0x1c: {  	_ = 	snop  }
0x1d: {  	[tilespmem:s14], [sflag:$0x1] =	stream.linear.gather [hbm4b:s7+s4], $0x2000, $0x38;
	[tilespmem:$0xD800] =	vst v63  }
0x1e: {  	_ = 	snop  }
0x1f: {  	[tilespmem:s15], [sflag:$0x2] =	stream.linear.gather [hbm4b:s8+s4], $0x2000, $0x38;
	[tilespmem:$0xD800] =	vst v63  }
0x20: {  	s23 =	simm.s32 $0x8020  }
0x21: {  	[tilespmem:s16], [sflag:$0x2] =	stream.linear.gather [hbm4b:s9+s4], $0x2000, $0x38;
	[tilespmem:$0xD800] =	vst v63  }
0x22: {  	[tilespmem:s23+$0xFFFFFFE0] =	vst v0  }
0x23: {  	[tilespmem:s23+$0x10] =	vst v0  }
0x24: {  	s24 =	simm.s32 $0x0;
	[tilespmem:s23+$0x0] =	vst v0  }
.LBB2_2:
0x25: {  	s24 =	sadd.s32 $0x4, s24  }
0x26: {  	[tilespmem:s23+$0xFFFFFFF0] =	vst v0;
	s23 =	sadd.s32 $0x40, s23;
	p0 =	slt.u32 s24, $0x57C  }
.Ltmp2:
0x27: {  	[tilespmem:s23+$0xFFFFFFE0] =	vst v0;
	(pc) =	sbr.rel @p0 .LBB2_2-.Ltmp2, $3  }
0x28: {  	_ =	sdelay $0x1  }
0x29: {  	[tilespmem:s23+$0x10] =	vst v0  }
0x2a: {  	[tilespmem:s23+$0x0] =	vst v0  }
0x2b: {  	[tilespmem:s23+$0xFFFFFFF0] =	vst v0;
	s23 =	simm.s32 $0x0;
	s24 =	simm.s32 $0x0  }
.LBB2_4:
0x2c: {  	_ =	swait.ge [sflag:s5], $0x2000  }
0x2d: {  	[sflag:s5] =	ssyncset.done $0x0  }
0x2e: {  	s25 =	simm.s32 $0x0;
	s26 =	sand.u32 $0xC00, s23;
	[sflag:s5] =	ssyncadd.s32 $0xFFFFE000  }
0x2f: {  	s28 =	simm.s32 $0x0;
	s25 =	sand.u32 $0x1000, s25;
	_ =	swait.ge [sflag:s5], $0x2000  }
0x30: {  	s28 =	sand.u32 $0x380, s28;
	s25 =	sor.u32 s26, s25;
	[sflag:s5] =	ssyncset.done $0x0  }
0x31: {  	s25 =	sor.u32 s28, s25;
	[sflag:s5] =	ssyncadd.s32 $0xFFFFE000  }
0x32: {  	v2 =	vld [tilespmem:s25+$0x4070]  }
0x33: {  	v3 =	vld [tilespmem:s25+$0x4000]  }
0x34: {  	v4 =	vld [tilespmem:s25+$0x70]  }
0x35: {  	v5 =	vld [tilespmem:s25+$0x4010]  }
0x36: {  	v6 =	vld [tilespmem:s25+$0x4020]  }
0x37: {  	v7 =	vld [tilespmem:s25+$0x4030]  }
0x38: {  	v9 =	vld [tilespmem:s25+$0x4040]  }
0x39: {  	v10 =	vld [tilespmem:s25+$0x20];
	v8 =	vmul.u32 $0x96, v2  }
0x3a: {  	vm0 =	vlt.u32 v2, $0x96;
	v2 =	vld [tilespmem:s25+$0x0]  }
0x3b: {  	v12 =	vld [tilespmem:s25+$0x30];
	v4 =	vadd.s32 v4, v8  }
0x3c: {  	v11 =	vmul.u32 $0x96, v3;
	vm1 =	vlt.u32 v3, $0x96;
	v3 =	vld [tilespmem:s25+$0x4050]  }
0x3d: {  	v8 =	vld [tilespmem:s25+$0x10]  }
0x3e: {  	v13 =	vmul.u32 $0x96, v5;
	vm2 =	vlt.u32 v5, $0x96;
	v5 =	vld [tilespmem:s25+$0x4060]  }
0x3f: {  	v2 =	vadd.s32 v2, v11;
	v11 =	vld [tilespmem:s25+$0x60]  }
0x40: {  	v14 =	vmul.u32 $0x96, v6;
	[tilespmem:v4+s17+$0x0] =	vst.idx.add.f32.msk vm0, v1  }
0x41: {  	vm3 =	vlt.u32 v6, $0x96;
	v6 =	vmul.u32 $0x96, v7;
	vm0 =	vlt.u32 v7, $0x96;
	v7 =	vld [tilespmem:s25+$0x40]  }
0x42: {  	s29 =	simm.s32 $0x80;
	v4 =	vadd.s32 v8, v13;
	v8 =	vadd.s32 v10, v14;
	v10 =	vld [tilespmem:s25+$0x50];
	s25 =	simm.s32 $0x400  }
0x43: {  	s26 =	sand.u32 $0x1000, s29;
	s29 =	simm.s32 $0x20;
	s30 =	sand.u32 $0xC00, s25  }
0x44: {  	s31 =	sand.u32 $0x380, s29;
	s26 =	sor.u32 s30, s26  }
0x45: {  	v6 =	vadd.s32 v12, v6;
	[tilespmem:v2+s17+$0x0] =	vst.idx.add.f32.msk vm1, v1;
	s26 =	sor.u32 s31, s26  }
0x46: {  	v2 =	vld [tilespmem:s26+$0x4070]  }
0x47: {  	v12 =	vld [tilespmem:s26+$0x4020]  }
0x48: {  	v13 =	vld [tilespmem:s26+$0x4030]  }
0x49: {  	v15 =	vld [tilespmem:s26+$0x4040]  }
0x4a: {  	[tilespmem:v6+s17+$0x0] =	vst.idx.add.f32.msk vm0, v1  }
0x4b: {  	v6 =	vld [tilespmem:s26+$0x70]  }
0x4c: {  	v16 =	vld [tilespmem:s26+$0x4050]  }
0x4d: {  	v17 =	vld [tilespmem:s26+$0x4060]  }
0x4e: {  	[tilespmem:v4+s17+$0x0] =	vst.idx.add.f32.msk vm2, v1;
	v14 =	vmul.u32 $0x96, v2  }
0x4f: {  	[tilespmem:v8+s17+$0x0] =	vst.idx.add.f32.msk vm3, v1;
	vm1 =	vlt.u32 v2, $0x96  }
0x50: {  	v4 =	vld [tilespmem:s26+$0x4000];
	v6 =	vadd.s32 v6, v14  }
0x51: {  	v8 =	vld [tilespmem:s26+$0x4010];
	vm2 =	vlt.u32 v3, $0x96;
	vm0 =	vlt.u32 v9, $0x96  }
0x52: {  	v2 =	vmul.u32 $0x96, v9;
	v9 =	vld [tilespmem:s26+$0x0];
	v14 =	vmul.u32 $0x96, v3;
	v3 =	vmul.u32 $0x96, v5  }
0x53: {  	vm3 =	vlt.u32 v5, $0x96;
	vm2 =	vmmov vm2;
	vm8 =	vmmov vm0;
	v5 =	vld [tilespmem:s26+$0x10]  }
0x54: {  	vm0 =	vmmov vm3;
	v18 =	vadd.s32 v7, v2;
	v2 =	vadd.s32 v11, v3;
	v3 =	vld [tilespmem:s26+$0x20]  }
0x55: {  	vm5 =	vlt.u32 v12, $0x96;
	vm4 =	vlt.u32 v4, $0x96;
	v4 =	vmul.u32 $0x96, v4;
	[tilespmem:v6+s17+$0x0] =	vst.idx.add.f32.msk vm1, v1  }
0x56: {  	vm6 =	vlt.u32 v8, $0x96;
	v14 =	vadd.s32 v10, v14;
	v6 =	vmul.u32 $0x96, v8;
	v8 =	vld [tilespmem:s26+$0x30]  }
0x57: {  	vm3 =	vlt.u32 v13, $0x96;
	v7 =	vmul.u32 $0x96, v12;
	v10 =	vld [tilespmem:s26+$0x40];
	v9 =	vadd.s32 v9, v4  }
0x58: {  	v13 =	vmul.u32 $0x96, v13;
	vm9 =	vlt.u32 v16, $0x96;
	v12 =	vld [tilespmem:s26+$0x50];
	v11 =	vadd.s32 v5, v6  }
0x59: {  	vm7 =	vlt.u32 v17, $0x96;
	vm1 =	vlt.u32 v15, $0x96;
	v6 =	vadd.s32 v3, v7;
	v7 =	vld [tilespmem:s26+$0x60]  }
0x5a: {  	v4 =	vmul.u32 $0x96, v15;
	[tilespmem:v18+s17+$0x0] =	vst.idx.add.f32.msk vm8, v1;
	vm1 =	vmmov vm1;
	v5 =	vmul.u32 $0x96, v16  }
0x5b: {  	v3 =	vmul.u32 $0x96, v17;
	s26 =	simm.s32 $0x8;
	[tilespmem:v14+s17+$0x0] =	vst.idx.add.f32.msk vm2, v1;
	vm2 =	vmmov vm9;
	v8 =	vadd.s32 v8, v13  }
.LBB2_5:
0x5c: {  	s26 =	sadd.s32 $0x8, s26;
	[tilespmem:v9+s17+$0x0] =	vst.idx.add.f32.msk vm4, v1;
	v13 =	vadd.s32 v10, v4  }
0x5d: {  	s25 =	sadd.s32 $0x400, s25;
	s28 =	sshll.u32 s26, $0x4;
	p0 =	slt.u32 s26, $0x1F8;
	[tilespmem:v11+s17+$0x0] =	vst.idx.add.f32.msk vm6, v1;
	v14 =	vadd.s32 v12, v5  }
0x5e: {  	s29 =	sand.u32 $0xC00, s25;
	s30 =	sshll.u32 s26, $0x2;
	s28 =	sand.u32 $0x1000, s28;
	[tilespmem:v6+s17+$0x0] =	vst.idx.add.f32.msk vm5, v1;
	v3 =	vadd.s32 v7, v3  }
0x5f: {  	s28 =	sor.u32 s29, s28;
	s29 =	sand.u32 $0x380, s30;
	[tilespmem:v2+s17+$0x0] =	vst.idx.add.f32.msk vm0, v1;
	v2 =	vmov v3;
	vm0 =	vmmov vm7  }
0x60: {  	s28 =	sor.u32 s29, s28;
	[tilespmem:v8+s17+$0x0] =	vst.idx.add.f32.msk vm3, v1  }
0x61: {  	v3 =	vld [tilespmem:s28+$0x4070]  }
0x62: {  	v4 =	vld [tilespmem:s28+$0x4000]  }
0x63: {  	v5 =	vld [tilespmem:s28+$0x70]  }
0x64: {  	v6 =	vld [tilespmem:s28+$0x4010]  }
0x65: {  	v7 =	vld [tilespmem:s28+$0x4020]  }
0x66: {  	v8 =	vld [tilespmem:s28+$0x4030];
	v9 =	vmul.u32 $0x96, v3  }
0x67: {  	vm7 =	vlt.u32 v3, $0x96;
	vm4 =	vlt.u32 v4, $0x96;
	v10 =	vmul.u32 $0x96, v4;
	v4 =	vld [tilespmem:s28+$0x4040]  }
0x68: {  	v3 =	vld [tilespmem:s28+$0x4050];
	v9 =	vadd.s32 v5, v9  }
0x69: {  	vm6 =	vlt.u32 v6, $0x96;
	v6 =	vmul.u32 $0x96, v6;
	v11 =	vld [tilespmem:s28+$0x4060]  }
0x6a: {  	v12 =	vld [tilespmem:s28+$0x0];
	vm5 =	vlt.u32 v7, $0x96;
	v7 =	vmul.u32 $0x96, v7  }
0x6b: {  	v15 =	vld [tilespmem:s28+$0x10];
	vm3 =	vlt.u32 v8, $0x96;
	v8 =	vmul.u32 $0x96, v8  }
0x6c: {  	v16 =	vld [tilespmem:s28+$0x20];
	vm8 =	vlt.u32 v4, $0x96;
	v4 =	vmul.u32 $0x96, v4  }
0x6d: {  	vm9 =	vlt.u32 v3, $0x96;
	v5 =	vmul.u32 $0x96, v3;
	[tilespmem:v9+s17+$0x0] =	vst.idx.add.f32.msk vm7, v1  }
0x6e: {  	v17 =	vld [tilespmem:s28+$0x30];
	vm7 =	vlt.u32 v11, $0x96;
	v3 =	vmul.u32 $0x96, v11  }
.Ltmp3:
0x6f: {  	v9 =	vadd.s32 v12, v10;
	v10 =	vld [tilespmem:s28+$0x40];
	(pc) =	sbr.rel @p0 .LBB2_5-.Ltmp3, $4  }
0x70: {  	v11 =	vadd.s32 v15, v6;
	v12 =	vld [tilespmem:s28+$0x50]  }
0x71: {  	v6 =	vadd.s32 v16, v7;
	v7 =	vld [tilespmem:s28+$0x60]  }
0x72: {  	[tilespmem:v13+s17+$0x0] =	vst.idx.add.f32.msk vm1, v1;
	vm1 =	vmmov vm8  }
0x73: {  	v8 =	vadd.s32 v17, v8;
	[tilespmem:v14+s17+$0x0] =	vst.idx.add.f32.msk vm2, v1;
	vm2 =	vmmov vm9  }
0x74: {  	_ =	sdelay $0x4  }
0x75: {  	[tilespmem:v9+s17+$0x0] =	vst.idx.add.f32.msk vm4, v1;
	v4 =	vadd.s32 v10, v4  }
0x76: {  	[tilespmem:v11+s17+$0x0] =	vst.idx.add.f32.msk vm6, v1;
	v5 =	vadd.s32 v12, v5  }
0x77: {  	[tilespmem:v6+s17+$0x0] =	vst.idx.add.f32.msk vm5, v1;
	v3 =	vadd.s32 v7, v3  }
0x78: {  	[tilespmem:v2+s17+$0x0] =	vst.idx.add.f32.msk vm0, v1  }
0x79: {  	[tilespmem:v8+s17+$0x0] =	vst.idx.add.f32.msk vm3, v1;
	s25 =	sshll.u32 s24, $0xE;
	p0 =	seq.s32 s24, $0x7  }
0x7a: {  	s26 =	sadd.s32 @!p0 s25, s10;
	[tilespmem:v4+s17+$0x0] =	vst.idx.add.f32.msk vm1, v1  }
0x7b: {  	s26 =	sshrl.u32 @!p0 s26, $0x3;
	[tilespmem:v5+s17+$0x0] =	vst.idx.add.f32.msk vm2, v1  }
0x7c: {  	s29 =	simm.s32 @!p0 $0x0;
	s28 =	sadd.s32 @!p0 s1, s26;
	[tilespmem:v3+s17+$0x0] =	vst.idx.add.f32.msk vm7, v1  }
0x7d: {  	[tilespmem:s29], [sflag:$0x1] =	stream.linear.gather @!p0 [hbm4b:s28+s29], $0x2000, $0x38;
	[tilespmem:$0xD800] =	vst v63  }
0x7e: {  	s26 =	sadd.s32 @!p0 s3, s26;
	s28 =	simm.s32 @!p0 $0x4000  }
0x7f: {  	[tilespmem:s28], [sflag:$0x1] =	stream.linear.gather @!p0 [hbm4b:s26+s29], $0x2000, $0x38;
	[tilespmem:$0xD800] =	vst v63  }
0x80: {  	_ =	swait.ge [sflag:s18], $0x2000  }
0x81: {  	s30 =	simm.s32 $0x0;
	[sflag:s18] =	ssyncset.done $0x0  }
0x82: {  	s29 =	simm.s32 $0x0;
	s28 =	simm.s32 $0x0;
	[sflag:s18] =	ssyncadd.s32 $0xFFFFE000  }
0x83: {  	s28 =	sand.u32 $0x1000, s28;
	s26 =	sand.u32 $0xC00, s29;
	_ =	swait.ge [sflag:s18], $0x2000  }
0x84: {  	s26 =	sor.u32 s26, s28;
	s28 =	sand.u32 $0x380, s30;
	[sflag:s18] =	ssyncset.done $0x0  }
0x85: {  	s26 =	sor.u32 s28, s26;
	[sflag:s18] =	ssyncadd.s32 $0xFFFFE000  }
0x86: {  	v2 =	vld [tilespmem:s26+$0x6070]  }
0x87: {  	v3 =	vld [tilespmem:s26+$0x6000]  }
0x88: {  	v4 =	vld [tilespmem:s26+$0x2070]  }
0x89: {  	v5 =	vld [tilespmem:s26+$0x6010]  }
0x8a: {  	v6 =	vld [tilespmem:s26+$0x6020]  }
0x8b: {  	v7 =	vld [tilespmem:s26+$0x6030]  }
0x8c: {  	v9 =	vld [tilespmem:s26+$0x6040]  }
0x8d: {  	v10 =	vld [tilespmem:s26+$0x2020];
	v8 =	vmul.u32 $0x96, v2  }
0x8e: {  	vm0 =	vlt.u32 v2, $0x96;
	v2 =	vld [tilespmem:s26+$0x2000]  }
0x8f: {  	v12 =	vld [tilespmem:s26+$0x2030];
	v4 =	vadd.s32 v4, v8  }
0x90: {  	v11 =	vmul.u32 $0x96, v3;
	vm1 =	vlt.u32 v3, $0x96;
	v3 =	vld [tilespmem:s26+$0x6050]  }
0x91: {  	v8 =	vld [tilespmem:s26+$0x2010]  }
0x92: {  	v13 =	vmul.u32 $0x96, v5;
	vm2 =	vlt.u32 v5, $0x96;
	v5 =	vld [tilespmem:s26+$0x6060]  }
0x93: {  	v2 =	vadd.s32 v2, v11;
	v11 =	vld [tilespmem:s26+$0x2060]  }
0x94: {  	v14 =	vmul.u32 $0x96, v6;
	[tilespmem:v4+s17+$0x0] =	vst.idx.add.f32.msk vm0, v1  }
0x95: {  	vm3 =	vlt.u32 v6, $0x96;
	v6 =	vmul.u32 $0x96, v7;
	vm0 =	vlt.u32 v7, $0x96;
	v7 =	vld [tilespmem:s26+$0x2040]  }
0x96: {  	s28 =	simm.s32 $0x80;
	v4 =	vadd.s32 v8, v13;
	v8 =	vadd.s32 v10, v14;
	v10 =	vld [tilespmem:s26+$0x2050];
	s26 =	simm.s32 $0x400  }
0x97: {  	s30 =	simm.s32 $0x20;
	s28 =	sand.u32 $0x1000, s28;
	s31 =	sand.u32 $0xC00, s26  }
0x98: {  	s28 =	sor.u32 s31, s28;
	s31 =	sand.u32 $0x380, s30  }
0x99: {  	v6 =	vadd.s32 v12, v6;
	[tilespmem:v2+s17+$0x0] =	vst.idx.add.f32.msk vm1, v1;
	s28 =	sor.u32 s31, s28  }
0x9a: {  	v2 =	vld [tilespmem:s28+$0x6070]  }
0x9b: {  	v12 =	vld [tilespmem:s28+$0x6020]  }
0x9c: {  	v13 =	vld [tilespmem:s28+$0x6030]  }
0x9d: {  	v15 =	vld [tilespmem:s28+$0x6040]  }
0x9e: {  	[tilespmem:v6+s17+$0x0] =	vst.idx.add.f32.msk vm0, v1  }
0x9f: {  	v6 =	vld [tilespmem:s28+$0x2070]  }
0xa0: {  	v16 =	vld [tilespmem:s28+$0x6050]  }
0xa1: {  	v17 =	vld [tilespmem:s28+$0x6060]  }
0xa2: {  	[tilespmem:v4+s17+$0x0] =	vst.idx.add.f32.msk vm2, v1;
	v14 =	vmul.u32 $0x96, v2  }
0xa3: {  	[tilespmem:v8+s17+$0x0] =	vst.idx.add.f32.msk vm3, v1;
	vm1 =	vlt.u32 v2, $0x96  }
0xa4: {  	v4 =	vld [tilespmem:s28+$0x6000];
	v6 =	vadd.s32 v6, v14  }
0xa5: {  	vm4 =	vmmov vm7;
	v8 =	vld [tilespmem:s28+$0x6010];
	vm2 =	vlt.u32 v3, $0x96;
	vm0 =	vlt.u32 v9, $0x96  }
0xa6: {  	v2 =	vmul.u32 $0x96, v9;
	v9 =	vld [tilespmem:s28+$0x2000];
	v14 =	vmul.u32 $0x96, v3;
	v3 =	vmul.u32 $0x96, v5  }
0xa7: {  	vm3 =	vlt.u32 v5, $0x96;
	vm2 =	vmmov vm2;
	vm8 =	vmmov vm0;
	v5 =	vld [tilespmem:s28+$0x2010]  }
0xa8: {  	vm0 =	vmmov vm3;
	v18 =	vadd.s32 v7, v2;
	v2 =	vadd.s32 v11, v3;
	v3 =	vld [tilespmem:s28+$0x2020]  }
0xa9: {  	vm5 =	vlt.u32 v12, $0x96;
	vm4 =	vlt.u32 v4, $0x96;
	v4 =	vmul.u32 $0x96, v4;
	[tilespmem:v6+s17+$0x0] =	vst.idx.add.f32.msk vm1, v1  }
0xaa: {  	vm6 =	vlt.u32 v8, $0x96;
	v14 =	vadd.s32 v10, v14;
	v6 =	vmul.u32 $0x96, v8;
	v8 =	vld [tilespmem:s28+$0x2030]  }
0xab: {  	vm3 =	vlt.u32 v13, $0x96;
	v7 =	vmul.u32 $0x96, v12;
	v10 =	vld [tilespmem:s28+$0x2040];
	v9 =	vadd.s32 v9, v4  }
0xac: {  	v13 =	vmul.u32 $0x96, v13;
	vm9 =	vlt.u32 v16, $0x96;
	v12 =	vld [tilespmem:s28+$0x2050];
	v11 =	vadd.s32 v5, v6  }
0xad: {  	vm7 =	vlt.u32 v17, $0x96;
	vm1 =	vlt.u32 v15, $0x96;
	v6 =	vadd.s32 v3, v7;
	v7 =	vld [tilespmem:s28+$0x2060]  }
0xae: {  	v4 =	vmul.u32 $0x96, v15;
	[tilespmem:v18+s17+$0x0] =	vst.idx.add.f32.msk vm8, v1;
	vm1 =	vmmov vm1;
	v5 =	vmul.u32 $0x96, v16  }
0xaf: {  	v3 =	vmul.u32 $0x96, v17;
	s28 =	simm.s32 $0x8;
	[tilespmem:v14+s17+$0x0] =	vst.idx.add.f32.msk vm2, v1;
	vm2 =	vmmov vm9;
	v8 =	vadd.s32 v8, v13  }
.LBB2_7:
0xb0: {  	s28 =	sadd.s32 $0x8, s28;
	[tilespmem:v9+s17+$0x0] =	vst.idx.add.f32.msk vm4, v1;
	v13 =	vadd.s32 v10, v4  }
0xb1: {  	s26 =	sadd.s32 $0x400, s26;
	s29 =	sshll.u32 s28, $0x4;
	p1 =	slt.u32 s28, $0x1F8;
	[tilespmem:v11+s17+$0x0] =	vst.idx.add.f32.msk vm6, v1;
	v14 =	vadd.s32 v12, v5  }
0xb2: {  	s30 =	sand.u32 $0xC00, s26;
	s31 =	sshll.u32 s28, $0x2;
	s29 =	sand.u32 $0x1000, s29;
	[tilespmem:v6+s17+$0x0] =	vst.idx.add.f32.msk vm5, v1;
	v3 =	vadd.s32 v7, v3  }
0xb3: {  	s29 =	sor.u32 s30, s29;
	s30 =	sand.u32 $0x380, s31;
	[tilespmem:v2+s17+$0x0] =	vst.idx.add.f32.msk vm0, v1;
	v2 =	vmov v3;
	vm0 =	vmmov vm7  }
0xb4: {  	s29 =	sor.u32 s30, s29;
	[tilespmem:v8+s17+$0x0] =	vst.idx.add.f32.msk vm3, v1  }
0xb5: {  	v3 =	vld [tilespmem:s29+$0x6070]  }
0xb6: {  	v4 =	vld [tilespmem:s29+$0x6000]  }
0xb7: {  	v5 =	vld [tilespmem:s29+$0x2070]  }
0xb8: {  	v6 =	vld [tilespmem:s29+$0x6010]  }
0xb9: {  	v7 =	vld [tilespmem:s29+$0x6020]  }
0xba: {  	v8 =	vld [tilespmem:s29+$0x6030];
	v9 =	vmul.u32 $0x96, v3  }
0xbb: {  	vm7 =	vlt.u32 v3, $0x96;
	vm4 =	vlt.u32 v4, $0x96;
	v10 =	vmul.u32 $0x96, v4;
	v4 =	vld [tilespmem:s29+$0x6040]  }
0xbc: {  	v3 =	vld [tilespmem:s29+$0x6050];
	v9 =	vadd.s32 v5, v9  }
0xbd: {  	vm6 =	vlt.u32 v6, $0x96;
	v6 =	vmul.u32 $0x96, v6;
	v11 =	vld [tilespmem:s29+$0x6060]  }
0xbe: {  	v12 =	vld [tilespmem:s29+$0x2000];
	vm5 =	vlt.u32 v7, $0x96;
	v7 =	vmul.u32 $0x96, v7  }
0xbf: {  	v15 =	vld [tilespmem:s29+$0x2010];
	vm3 =	vlt.u32 v8, $0x96;
	v8 =	vmul.u32 $0x96, v8  }
0xc0: {  	v16 =	vld [tilespmem:s29+$0x2020];
	vm8 =	vlt.u32 v4, $0x96;
	v4 =	vmul.u32 $0x96, v4  }
0xc1: {  	vm9 =	vlt.u32 v3, $0x96;
	v5 =	vmul.u32 $0x96, v3;
	[tilespmem:v9+s17+$0x0] =	vst.idx.add.f32.msk vm7, v1  }
0xc2: {  	v17 =	vld [tilespmem:s29+$0x2030];
	vm7 =	vlt.u32 v11, $0x96;
	v3 =	vmul.u32 $0x96, v11  }
.Ltmp4:
0xc3: {  	v9 =	vadd.s32 v12, v10;
	v10 =	vld [tilespmem:s29+$0x2040];
	(pc) =	sbr.rel @p1 .LBB2_7-.Ltmp4, $4  }
0xc4: {  	v11 =	vadd.s32 v15, v6;
	v12 =	vld [tilespmem:s29+$0x2050]  }
0xc5: {  	v6 =	vadd.s32 v16, v7;
	v7 =	vld [tilespmem:s29+$0x2060]  }
0xc6: {  	[tilespmem:v13+s17+$0x0] =	vst.idx.add.f32.msk vm1, v1;
	vm1 =	vmmov vm8  }
0xc7: {  	v8 =	vadd.s32 v17, v8;
	[tilespmem:v14+s17+$0x0] =	vst.idx.add.f32.msk vm2, v1;
	vm2 =	vmmov vm9  }
0xc8: {  	_ =	sdelay $0x4  }
0xc9: {  	[tilespmem:v9+s17+$0x0] =	vst.idx.add.f32.msk vm4, v1;
	v4 =	vadd.s32 v10, v4  }
0xca: {  	[tilespmem:v11+s17+$0x0] =	vst.idx.add.f32.msk vm6, v1;
	v5 =	vadd.s32 v12, v5  }
0xcb: {  	[tilespmem:v6+s17+$0x0] =	vst.idx.add.f32.msk vm5, v1;
	v3 =	vadd.s32 v7, v3  }
.Ltmp5:
0xcc: {  	[tilespmem:v2+s17+$0x0] =	vst.idx.add.f32.msk vm0, v1;
	(pc) =	sbr.rel @p0 .LBB2_10-.Ltmp5, $4  }
0xcd: {  	[tilespmem:v8+s17+$0x0] =	vst.idx.add.f32.msk vm3, v1  }
0xce: {  	[tilespmem:v4+s17+$0x0] =	vst.idx.add.f32.msk vm1, v1  }
0xcf: {  	[tilespmem:v5+s17+$0x0] =	vst.idx.add.f32.msk vm2, v1  }
0xd0: {  	vm15 =	vmmov vm7;
	[tilespmem:v3+s17+$0x0] =	vst.idx.add.f32.msk vm7, v1  }
0xd1: {  	s25 =	sadd.s32 s25, s11  }
.Ltmp6:
0xd2: {  	s25 =	sshrl.u32 s25, $0x3;
	(pc) =	sbr.rel .LBB2_4-.Ltmp6, $4  }
0xd3: {  	s26 =	sadd.s32 s1, s25  }
0xd4: {  	[tilespmem:s15], [sflag:$0x2] =	stream.linear.gather [hbm4b:s26+s4], $0x2000, $0x38;
	[tilespmem:$0xD800] =	vst v63  }
0xd5: {  	s24 =	sadd.s32 $0x1, s24;
	s25 =	sadd.s32 s3, s25  }
0xd6: {  	[tilespmem:s16], [sflag:$0x2] =	stream.linear.gather [hbm4b:s25+s4], $0x2000, $0x38;
	[tilespmem:$0xD800] =	vst v63  }
.LBB2_11:
0xd7: {  	_ =	sfence.sel $0x180000  }
0xd8: {  	[bflag:$0x0] =	sbarrier.arrive $0xFFFF  }
0xd9: {  	p0 =	sne.s32 s0, $0x0;
	_ =	strace $0x90000047  }
0xda: {  	s0 =	sadd.s32 @!p0 $0x100000, s2;
	[bflag:$0x2] =	sbarrier.arrive $0xFFFF  }
0xdb: {  	[sflag:s0] =	ssyncadd.tile.s32 @!p0 $0x1;
	_ =	shalt  }
.Lfunc_end2:
_tile_overlayer_lowered:
.L_overlay_start_2:
0xdc: {  	(tag) =	ssettag $0x2  }
0xdd: {  	s0 =	rddreg [dreg:$0x0];
	s2 =	stileid.u32  }
0xde: {  	s1 =	rddreg [dreg:$0x1];
	p0 =	sne.s32 s2, $0x0  }
0xdf: {  	s3 =	rddreg [dreg:$0x2];
	[bflag:$0x3] =	sbarrier.arrive $0xFFFF;
	s2 =	simm.s32 @!p0 $0x1C03  }
0xe0: {  	[timem:s3], [sflag:s2] =	dma.local @!p0 [hbm:s0], s1  }
0xe1: {  	s0 =	simm.s32 @!p0 $0x3  }
0xe2: {  	_ =	swait.ge @!p0 [sflag:s0], s1  }
0xe3: {  	s1 =	ssub.s32 @!p0 $0x0, s1;
	[sflag:s0] =	ssyncset.done @!p0 $0x0  }
0xe4: {  	[sflag:s0] =	ssyncadd.s32 @!p0 s1  }
0xe5: {  	[bflag:$0x3] =	sbarrier.arrive $0xFFFF  }
0xe6: {  	_ =	shalt  }

</sc_bundles>
